<compile_context>
chip_gen: v7x
topology: tpu7x:2x2x1
jax: 0.10.2.dev20260603
libtpu: 0.0.44.dev20260713+nightly
codegen_flags: <defaults>
</compile_context>

<pallas_src>
import functools

import jax
import jax.numpy as jnp
from jax import lax
from jax.experimental import pallas as pl
from jax.experimental.pallas import tpu as pltpu
from jax.experimental.pallas import tpu_sc as plsc

E = 800000
D = 64
NC = 2
NS = 16
NW = NC * NS
L = 16
SUP = 6400
NSUP = E // SUP
KMAX = (NSUP + NW - 1) // NW
BLK = 16384
NBLK = -(-E // BLK)
EP = NBLK * BLK

_mesh = plsc.VectorSubcoreMesh(core_axis_name="c", subcore_axis_name="s")


@functools.partial(
    pl.kernel,
    out_type=jax.ShapeDtypeStruct((EP,), jnp.int32),
    mesh=_mesh,
    compiler_params=pltpu.CompilerParams(use_tc_tiling_on_sc=False,
                                         needs_layout_passes=False),
    scratch_types=[
        pltpu.VMEM((SUP,), jnp.int32),
        pltpu.VMEM((SUP,), jnp.int32),
        pltpu.VMEM((SUP,), jnp.int32),
        pltpu.VMEM((SUP,), jnp.int32),
    ],
)
def _sc_indices(a0_h, a1_h, a2_h, idx_h, a0_v, a1_v, a2_v, idx_v):
    wid = lax.axis_index("s") * NC + lax.axis_index("c")

    for k in range(KMAX):
        sup = k * NW + wid

        @pl.when(sup < NSUP)
        def _():
            ebase = sup * SUP
            pltpu.sync_copy(a0_h.at[pl.ds(ebase, SUP)], a0_v)
            pltpu.sync_copy(a1_h.at[pl.ds(ebase, SUP)], a1_v)
            pltpu.sync_copy(a2_h.at[pl.ds(ebase, SUP)], a2_v)

            def group(g, carry):
                s = pl.ds(g * L, L)
                idx_v[s] = a0_v[s] * 12 + a1_v[s] * 2 + a2_v[s]
                return carry

            lax.fori_loop(0, SUP // L, group, 0)
            pltpu.sync_copy(idx_v, idx_h.at[pl.ds(ebase, SUP)])


def _tc_expand_body(idx_ref, hi_ref, lo_ref, out_ref):
    idx_col = idx_ref[...].reshape(BLK, 1)
    cols = lax.broadcasted_iota(jnp.int32, (BLK, D), 1)
    onehot = (idx_col == cols).astype(jnp.bfloat16)
    dims = (((1,), (0,)), ((), ()))
    out_ref[...] = (
        lax.dot_general(onehot, hi_ref[...], dims,
                        preferred_element_type=jnp.float32)
        + lax.dot_general(onehot, lo_ref[...], dims,
                          preferred_element_type=jnp.float32))


_tc_expand = pl.pallas_call(
    _tc_expand_body,
    grid=(NBLK,),
    in_specs=[
        pl.BlockSpec((BLK,), lambda i: (i,)),
        pl.BlockSpec((D, D), lambda i: (0, 0)),
        pl.BlockSpec((D, D), lambda i: (0, 0)),
    ],
    out_specs=pl.BlockSpec((BLK, D), lambda i: (i, 0)),
    out_shape=jax.ShapeDtypeStruct((E, D), jnp.float32),
    compiler_params=pltpu.CompilerParams(
        dimension_semantics=("arbitrary",)),
)


def kernel(edge_attr, W0, W1, W2):
    ea = edge_attr.astype(jnp.int32)
    a0 = ea[:, 0]
    a1 = ea[:, 1]
    a2 = ea[:, 2]
    tab = (W0[:, None, None, :] + W1[None, :, None, :]
           + W2[None, None, :, :]).reshape(60, D)
    tab = jnp.pad(tab, ((0, D - 60), (0, 0)))
    tab_hi = tab.astype(jnp.bfloat16)
    tab_lo = (tab - tab_hi.astype(jnp.float32)).astype(jnp.bfloat16)
    idx = _sc_indices(a0, a1, a2)
    return _tc_expand(idx, tab_hi, tab_lo)

# --- scband reference (transcript-rebuilt; emitter-appended) ---
"""Pipeline reference for scband-edge-encoder-61117384622923 (READ-ONLY COPY).

The authoritative reference and input builder live on the scoring server;
editing this copy changes nothing except your own understanding.
"""

import jax, jax.numpy as jnp
import numpy as np

E = 800000
EMB_DIM = 64
FEATURE_DIMS = [5, 6, 2]

def _xavier(key, shape):
    fan_in, fan_out = shape[0], shape[1]
    limit = np.sqrt(6.0 / (fan_in + fan_out))
    return jax.random.uniform(key, shape, dtype=jnp.float32, minval=-limit, maxval=limit)

def setup_inputs(seed: int = 0) -> dict:
    key = jax.random.key(seed)
    k_idx, k0, k1, k2 = jax.random.split(key, 4)
    edge_attr = jax.random.randint(k_idx, (E, 3), 0, 2, dtype=jnp.int64)
    W0 = _xavier(k0, (FEATURE_DIMS[0], EMB_DIM))
    W1 = _xavier(k1, (FEATURE_DIMS[1], EMB_DIM))
    W2 = _xavier(k2, (FEATURE_DIMS[2], EMB_DIM))
    return {"edge_attr": edge_attr, "W0": W0, "W1": W1, "W2": W2}

def reference(edge_attr, W0, W1, W2):
    # All feature_dims > 0, so forward is a sum of three embedding lookups.
    bond_embedding = jnp.take(W0, edge_attr[:, 0], axis=0)
    bond_embedding = bond_embedding + jnp.take(W1, edge_attr[:, 1], axis=0)
    bond_embedding = bond_embedding + jnp.take(W2, edge_attr[:, 2], axis=0)
    return bond_embedding

if __name__ == "__main__":
    import jax
    _d = setup_inputs()
    print(jax.jit(kernel)(*tuple(_d.values())))

</pallas_src>

<mosaic_0001>
#map = affine_map<(d0, d1) -> (0)>
module attributes {stable_mosaic.version = 14 : i64} {
  func.func @_sc_indices(%arg0: i32, %arg1: i32, %arg2: memref<800000xi32, #tpu.memory_space<hbm>>, %arg3: memref<800000xi32, #tpu.memory_space<hbm>>, %arg4: memref<800000xi32, #tpu.memory_space<hbm>>, %arg5: memref<802816xi32, #tpu.memory_space<hbm>>, %arg6: memref<6400xi32, #tpu.memory_space<vmem>>, %arg7: memref<6400xi32, #tpu.memory_space<vmem>>, %arg8: memref<6400xi32, #tpu.memory_space<vmem>>, %arg9: memref<6400xi32, #tpu.memory_space<vmem>>) attributes {dimension_semantics = [#tpu.dimension_semantics<core_parallel>, #tpu.dimension_semantics<subcore_parallel>], iteration_bounds = array<i64: 2, 16>, scalar_prefetch = 0 : i64, scratch_operands = 4 : i64, tpu.core_type = #tpu.core_type<sc_vector_subcore>, window_params = [{transform_indices = #map}, {transform_indices = #map}, {transform_indices = #map}, {transform_indices = #map}]} {
    %mul3A = arith.constant 2 : i32
    %mul3A_0 = arith.muli %arg1, %mul3A : i32
    %add3A = arith.addi %mul3A_0, %arg0 : i32
    %add3A_1 = arith.constant 0 : i32
    %add3A_2 = arith.addi %add3A_1, %add3A : i32
    %lt3A = arith.constant 125 : i32
    %lt3A_3 = arith.cmpi slt, %add3A_2, %lt3A : i32
    %convert_element_type3A = arith.extui %lt3A_3 : i1 to i32
    %cond3A = arith.constant 0 : i32
    %cond3A_4 = arith.cmpi ne, %convert_element_type3A, %cond3A : i32
    scf.if %cond3A_4 {
      %mul3A_26 = arith.constant 6400 : i32
      %mul3A_27 = arith.muli %add3A_2, %mul3A_26 : i32
      "tpu.region"() ({
        %run_scoped3A = tpu.sem_alloc : memref<!tpu.dma_semaphore, #tpu.memory_space<semaphore_mem>>
        %dma_start3A = tpu.memref_slice %arg2[%mul3A_27] : memref<800000xi32, #tpu.memory_space<hbm>> -> memref<6400xi32, #tpu.memory_space<hbm>>
        %dma_start3A_33 = tpu.memref_slice %arg2[%mul3A_27] : memref<800000xi32, #tpu.memory_space<hbm>> -> memref<6400xi32, #tpu.memory_space<hbm>>
        tpu.enqueue_dma source(%dma_start3A_33 : memref<6400xi32, #tpu.memory_space<hbm>>) target(%arg6 : memref<6400xi32, #tpu.memory_space<vmem>>) target_semaphore(%run_scoped3A : memref<!tpu.dma_semaphore, #tpu.memory_space<semaphore_mem>>)
        %dma_wait3A = tpu.memref_slice %arg2[%mul3A_27] : memref<800000xi32, #tpu.memory_space<hbm>> -> memref<6400xi32, #tpu.memory_space<hbm>>
        %dma_wait3A_34 = tpu.memref_slice %arg2[%mul3A_27] : memref<800000xi32, #tpu.memory_space<hbm>> -> memref<6400xi32, #tpu.memory_space<hbm>>
        tpu.wait_dma2 semaphore(%run_scoped3A : memref<!tpu.dma_semaphore, #tpu.memory_space<semaphore_mem>>) src(%dma_wait3A_34 : memref<6400xi32, #tpu.memory_space<hbm>>) dst(%arg6 : memref<6400xi32, #tpu.memory_space<vmem>>)
        tpu.yield
      }) : () -> ()
      "tpu.region"() ({
        %run_scoped3A = tpu.sem_alloc : memref<!tpu.dma_semaphore, #tpu.memory_space<semaphore_mem>>
        %dma_start3A = tpu.memref_slice %arg3[%mul3A_27] : memref<800000xi32, #tpu.memory_space<hbm>> -> memref<6400xi32, #tpu.memory_space<hbm>>
        %dma_start3A_33 = tpu.memref_slice %arg3[%mul3A_27] : memref<800000xi32, #tpu.memory_space<hbm>> -> memref<6400xi32, #tpu.memory_space<hbm>>
        tpu.enqueue_dma source(%dma_start3A_33 : memref<6400xi32, #tpu.memory_space<hbm>>) target(%arg7 : memref<6400xi32, #tpu.memory_space<vmem>>) target_semaphore(%run_scoped3A : memref<!tpu.dma_semaphore, #tpu.memory_space<semaphore_mem>>)
        %dma_wait3A = tpu.memref_slice %arg3[%mul3A_27] : memref<800000xi32, #tpu.memory_space<hbm>> -> memref<6400xi32, #tpu.memory_space<hbm>>
        %dma_wait3A_34 = tpu.memref_slice %arg3[%mul3A_27] : memref<800000xi32, #tpu.memory_space<hbm>> -> memref<6400xi32, #tpu.memory_space<hbm>>
        tpu.wait_dma2 semaphore(%run_scoped3A : memref<!tpu.dma_semaphore, #tpu.memory_space<semaphore_mem>>) src(%dma_wait3A_34 : memref<6400xi32, #tpu.memory_space<hbm>>) dst(%arg7 : memref<6400xi32, #tpu.memory_space<vmem>>)
        tpu.yield
      }) : () -> ()
      "tpu.region"() ({
        %run_scoped3A = tpu.sem_alloc : memref<!tpu.dma_semaphore, #tpu.memory_space<semaphore_mem>>
        %dma_start3A = tpu.memref_slice %arg4[%mul3A_27] : memref<800000xi32, #tpu.memory_space<hbm>> -> memref<6400xi32, #tpu.memory_space<hbm>>
        %dma_start3A_33 = tpu.memref_slice %arg4[%mul3A_27] : memref<800000xi32, #tpu.memory_space<hbm>> -> memref<6400xi32, #tpu.memory_space<hbm>>
        tpu.enqueue_dma source(%dma_start3A_33 : memref<6400xi32, #tpu.memory_space<hbm>>) target(%arg8 : memref<6400xi32, #tpu.memory_space<vmem>>) target_semaphore(%run_scoped3A : memref<!tpu.dma_semaphore, #tpu.memory_space<semaphore_mem>>)
        %dma_wait3A = tpu.memref_slice %arg4[%mul3A_27] : memref<800000xi32, #tpu.memory_space<hbm>> -> memref<6400xi32, #tpu.memory_space<hbm>>
        %dma_wait3A_34 = tpu.memref_slice %arg4[%mul3A_27] : memref<800000xi32, #tpu.memory_space<hbm>> -> memref<6400xi32, #tpu.memory_space<hbm>>
        tpu.wait_dma2 semaphore(%run_scoped3A : memref<!tpu.dma_semaphore, #tpu.memory_space<semaphore_mem>>) src(%dma_wait3A_34 : memref<6400xi32, #tpu.memory_space<hbm>>) dst(%arg8 : memref<6400xi32, #tpu.memory_space<vmem>>)
        tpu.yield
      }) : () -> ()
      %scan3A = arith.constant 0 : i32
      %scan3A_28 = arith.constant 0 : i32
      %scan3A_29 = arith.constant 400 : i32
      %scan3A_30 = arith.addi %scan3A_28, %scan3A_29 : i32
      %scan3A_31 = arith.constant 1 : i32
      scf.for %scan3A_33 = %scan3A_28 to %scan3A_30 step %scan3A_31  : i32 {
        %mul3A_34 = arith.constant 16 : i32
        %mul3A_35 = arith.muli %scan3A_33, %mul3A_34 : i32
        %get3A = arith.index_cast %mul3A_35 : i32 to index
        %get3A_36 = tpu.vector_load %arg6[%get3A] {strides = array<i32>} : memref<6400xi32, #tpu.memory_space<vmem>>, vector<16xi32>,
        %mul3A_37 = arith.constant 12 : i32
        %mul3A_38 = vector.broadcast %mul3A_37 : i32 to vector<16xi32>
        %mul3A_39 = arith.muli %get3A_36, %mul3A_38 : vector<16xi32>
        %get3A_40 = arith.index_cast %mul3A_35 : i32 to index
        %get3A_41 = tpu.vector_load %arg7[%get3A_40] {strides = array<i32>} : memref<6400xi32, #tpu.memory_space<vmem>>, vector<16xi32>,
        %mul3A_42 = arith.constant 2 : i32
        %mul3A_43 = vector.broadcast %mul3A_42 : i32 to vector<16xi32>
        %mul3A_44 = arith.muli %get3A_41, %mul3A_43 : vector<16xi32>
        %add3A_45 = arith.addi %mul3A_39, %mul3A_44 : vector<16xi32>
        %get3A_46 = arith.index_cast %mul3A_35 : i32 to index
        %get3A_47 = tpu.vector_load %arg8[%get3A_46] {strides = array<i32>} : memref<6400xi32, #tpu.memory_space<vmem>>, vector<16xi32>,
        %add3A_48 = arith.addi %add3A_45, %get3A_47 : vector<16xi32>
        %swap3A = arith.index_cast %mul3A_35 : i32 to index
        %swap3A_49 = tpu.vector_load %arg9[%swap3A] {strides = array<i32>} : memref<6400xi32, #tpu.memory_space<vmem>>, vector<16xi32>,
        tpu.vector_store %arg9[%swap3A], %add3A_48 {strides = array<i32>} : memref<6400xi32, #tpu.memory_space<vmem>>, vector<16xi32>,
      }
      %scan3A_32 = arith.constant 400 : i32
      "tpu.region"() ({
        %run_scoped3A = tpu.sem_alloc : memref<!tpu.dma_semaphore, #tpu.memory_space<semaphore_mem>>
        %dma_start3A = tpu.memref_slice %arg5[%mul3A_27] : memref<802816xi32, #tpu.memory_space<hbm>> -> memref<6400xi32, #tpu.memory_space<hbm>>
        %dma_start3A_33 = tpu.memref_slice %arg5[%mul3A_27] : memref<802816xi32, #tpu.memory_space<hbm>> -> memref<6400xi32, #tpu.memory_space<hbm>>
        tpu.enqueue_dma source(%arg9 : memref<6400xi32, #tpu.memory_space<vmem>>) target(%dma_start3A_33 : memref<6400xi32, #tpu.memory_space<hbm>>) target_semaphore(%run_scoped3A : memref<!tpu.dma_semaphore, #tpu.memory_space<semaphore_mem>>)
        %dma_wait3A = tpu.memref_slice %arg5[%mul3A_27] : memref<802816xi32, #tpu.memory_space<hbm>> -> memref<6400xi32, #tpu.memory_space<hbm>>
        %dma_wait3A_34 = tpu.memref_slice %arg5[%mul3A_27] : memref<802816xi32, #tpu.memory_space<hbm>> -> memref<6400xi32, #tpu.memory_space<hbm>>
        tpu.wait_dma2 semaphore(%run_scoped3A : memref<!tpu.dma_semaphore, #tpu.memory_space<semaphore_mem>>) src(%arg9 : memref<6400xi32, #tpu.memory_space<vmem>>) dst(%dma_wait3A_34 : memref<6400xi32, #tpu.memory_space<hbm>>)
        tpu.yield
      }) : () -> ()
    } else {
    }
    %add3A_5 = arith.constant 32 : i32
    %add3A_6 = arith.addi %add3A_5, %add3A : i32
    %lt3A_7 = arith.constant 125 : i32
    %lt3A_8 = arith.cmpi slt, %add3A_6, %lt3A_7 : i32
    %convert_element_type3A_9 = arith.extui %lt3A_8 : i1 to i32
    %cond3A_10 = arith.constant 0 : i32
    %cond3A_11 = arith.cmpi ne, %convert_element_type3A_9, %cond3A_10 : i32
    scf.if %cond3A_11 {
      %mul3A_26 = arith.constant 6400 : i32
      %mul3A_27 = arith.muli %add3A_6, %mul3A_26 : i32
      "tpu.region"() ({
        %run_scoped3A = tpu.sem_alloc : memref<!tpu.dma_semaphore, #tpu.memory_space<semaphore_mem>>
        %dma_start3A = tpu.memref_slice %arg2[%mul3A_27] : memref<800000xi32, #tpu.memory_space<hbm>> -> memref<6400xi32, #tpu.memory_space<hbm>>
        %dma_start3A_33 = tpu.memref_slice %arg2[%mul3A_27] : memref<800000xi32, #tpu.memory_space<hbm>> -> memref<6400xi32, #tpu.memory_space<hbm>>
        tpu.enqueue_dma source(%dma_start3A_33 : memref<6400xi32, #tpu.memory_space<hbm>>) target(%arg6 : memref<6400xi32, #tpu.memory_space<vmem>>) target_semaphore(%run_scoped3A : memref<!tpu.dma_semaphore, #tpu.memory_space<semaphore_mem>>)
        %dma_wait3A = tpu.memref_slice %arg2[%mul3A_27] : memref<800000xi32, #tpu.memory_space<hbm>> -> memref<6400xi32, #tpu.memory_space<hbm>>
        %dma_wait3A_34 = tpu.memref_slice %arg2[%mul3A_27] : memref<800000xi32, #tpu.memory_space<hbm>> -> memref<6400xi32, #tpu.memory_space<hbm>>
        tpu.wait_dma2 semaphore(%run_scoped3A : memref<!tpu.dma_semaphore, #tpu.memory_space<semaphore_mem>>) src(%dma_wait3A_34 : memref<6400xi32, #tpu.memory_space<hbm>>) dst(%arg6 : memref<6400xi32, #tpu.memory_space<vmem>>)
        tpu.yield
      }) : () -> ()
      "tpu.region"() ({
        %run_scoped3A = tpu.sem_alloc : memref<!tpu.dma_semaphore, #tpu.memory_space<semaphore_mem>>
        %dma_start3A = tpu.memref_slice %arg3[%mul3A_27] : memref<800000xi32, #tpu.memory_space<hbm>> -> memref<6400xi32, #tpu.memory_space<hbm>>
        %dma_start3A_33 = tpu.memref_slice %arg3[%mul3A_27] : memref<800000xi32, #tpu.memory_space<hbm>> -> memref<6400xi32, #tpu.memory_space<hbm>>
        tpu.enqueue_dma source(%dma_start3A_33 : memref<6400xi32, #tpu.memory_space<hbm>>) target(%arg7 : memref<6400xi32, #tpu.memory_space<vmem>>) target_semaphore(%run_scoped3A : memref<!tpu.dma_semaphore, #tpu.memory_space<semaphore_mem>>)
        %dma_wait3A = tpu.memref_slice %arg3[%mul3A_27] : memref<800000xi32, #tpu.memory_space<hbm>> -> memref<6400xi32, #tpu.memory_space<hbm>>
        %dma_wait3A_34 = tpu.memref_slice %arg3[%mul3A_27] : memref<800000xi32, #tpu.memory_space<hbm>> -> memref<6400xi32, #tpu.memory_space<hbm>>
        tpu.wait_dma2 semaphore(%run_scoped3A : memref<!tpu.dma_semaphore, #tpu.memory_space<semaphore_mem>>) src(%dma_wait3A_34 : memref<6400xi32, #tpu.memory_space<hbm>>) dst(%arg7 : memref<6400xi32, #tpu.memory_space<vmem>>)
        tpu.yield
      }) : () -> ()
      "tpu.region"() ({
        %run_scoped3A = tpu.sem_alloc : memref<!tpu.dma_semaphore, #tpu.memory_space<semaphore_mem>>
        %dma_start3A = tpu.memref_slice %arg4[%mul3A_27] : memref<800000xi32, #tpu.memory_space<hbm>> -> memref<6400xi32, #tpu.memory_space<hbm>>
        %dma_start3A_33 = tpu.memref_slice %arg4[%mul3A_27] : memref<800000xi32, #tpu.memory_space<hbm>> -> memref<6400xi32, #tpu.memory_space<hbm>>
        tpu.enqueue_dma source(%dma_start3A_33 : memref<6400xi32, #tpu.memory_space<hbm>>) target(%arg8 : memref<6400xi32, #tpu.memory_space<vmem>>) target_semaphore(%run_scoped3A : memref<!tpu.dma_semaphore, #tpu.memory_space<semaphore_mem>>)
        %dma_wait3A = tpu.memref_slice %arg4[%mul3A_27] : memref<800000xi32, #tpu.memory_space<hbm>> -> memref<6400xi32, #tpu.memory_space<hbm>>
        %dma_wait3A_34 = tpu.memref_slice %arg4[%mul3A_27] : memref<800000xi32, #tpu.memory_space<hbm>> -> memref<6400xi32, #tpu.memory_space<hbm>>
        tpu.wait_dma2 semaphore(%run_scoped3A : memref<!tpu.dma_semaphore, #tpu.memory_space<semaphore_mem>>) src(%dma_wait3A_34 : memref<6400xi32, #tpu.memory_space<hbm>>) dst(%arg8 : memref<6400xi32, #tpu.memory_space<vmem>>)
        tpu.yield
      }) : () -> ()
      %scan3A = arith.constant 0 : i32
      %scan3A_28 = arith.constant 0 : i32
      %scan3A_29 = arith.constant 400 : i32
      %scan3A_30 = arith.addi %scan3A_28, %scan3A_29 : i32
      %scan3A_31 = arith.constant 1 : i32
      scf.for %scan3A_33 = %scan3A_28 to %scan3A_30 step %scan3A_31  : i32 {
        %mul3A_34 = arith.constant 16 : i32
        %mul3A_35 = arith.muli %scan3A_33, %mul3A_34 : i32
        %get3A = arith.index_cast %mul3A_35 : i32 to index
        %get3A_36 = tpu.vector_load %arg6[%get3A] {strides = array<i32>} : memref<6400xi32, #tpu.memory_space<vmem>>, vector<16xi32>,
        %mul3A_37 = arith.constant 12 : i32
        %mul3A_38 = vector.broadcast %mul3A_37 : i32 to vector<16xi32>
        %mul3A_39 = arith.muli %get3A_36, %mul3A_38 : vector<16xi32>
        %get3A_40 = arith.index_cast %mul3A_35 : i32 to index
        %get3A_41 = tpu.vector_load %arg7[%get3A_40] {strides = array<i32>} : memref<6400xi32, #tpu.memory_space<vmem>>, vector<16xi32>,
        %mul3A_42 = arith.constant 2 : i32
        %mul3A_43 = vector.broadcast %mul3A_42 : i32 to vector<16xi32>
        %mul3A_44 = arith.muli %get3A_41, %mul3A_43 : vector<16xi32>
        %add3A_45 = arith.addi %mul3A_39, %mul3A_44 : vector<16xi32>
        %get3A_46 = arith.index_cast %mul3A_35 : i32 to index
        %get3A_47 = tpu.vector_load %arg8[%get3A_46] {strides = array<i32>} : memref<6400xi32, #tpu.memory_space<vmem>>, vector<16xi32>,
        %add3A_48 = arith.addi %add3A_45, %get3A_47 : vector<16xi32>
        %swap3A = arith.index_cast %mul3A_35 : i32 to index
        %swap3A_49 = tpu.vector_load %arg9[%swap3A] {strides = array<i32>} : memref<6400xi32, #tpu.memory_space<vmem>>, vector<16xi32>,
        tpu.vector_store %arg9[%swap3A], %add3A_48 {strides = array<i32>} : memref<6400xi32, #tpu.memory_space<vmem>>, vector<16xi32>,
      }
      %scan3A_32 = arith.constant 400 : i32
      "tpu.region"() ({
        %run_scoped3A = tpu.sem_alloc : memref<!tpu.dma_semaphore, #tpu.memory_space<semaphore_mem>>
        %dma_start3A = tpu.memref_slice %arg5[%mul3A_27] : memref<802816xi32, #tpu.memory_space<hbm>> -> memref<6400xi32, #tpu.memory_space<hbm>>
        %dma_start3A_33 = tpu.memref_slice %arg5[%mul3A_27] : memref<802816xi32, #tpu.memory_space<hbm>> -> memref<6400xi32, #tpu.memory_space<hbm>>
        tpu.enqueue_dma source(%arg9 : memref<6400xi32, #tpu.memory_space<vmem>>) target(%dma_start3A_33 : memref<6400xi32, #tpu.memory_space<hbm>>) target_semaphore(%run_scoped3A : memref<!tpu.dma_semaphore, #tpu.memory_space<semaphore_mem>>)
        %dma_wait3A = tpu.memref_slice %arg5[%mul3A_27] : memref<802816xi32, #tpu.memory_space<hbm>> -> memref<6400xi32, #tpu.memory_space<hbm>>
        %dma_wait3A_34 = tpu.memref_slice %arg5[%mul3A_27] : memref<802816xi32, #tpu.memory_space<hbm>> -> memref<6400xi32, #tpu.memory_space<hbm>>
        tpu.wait_dma2 semaphore(%run_scoped3A : memref<!tpu.dma_semaphore, #tpu.memory_space<semaphore_mem>>) src(%arg9 : memref<6400xi32, #tpu.memory_space<vmem>>) dst(%dma_wait3A_34 : memref<6400xi32, #tpu.memory_space<hbm>>)
        tpu.yield
      }) : () -> ()
    } else {
    }
    %add3A_12 = arith.constant 64 : i32
    %add3A_13 = arith.addi %add3A_12, %add3A : i32
    %lt3A_14 = arith.constant 125 : i32
    %lt3A_15 = arith.cmpi slt, %add3A_13, %lt3A_14 : i32
    %convert_element_type3A_16 = arith.extui %lt3A_15 : i1 to i32
    %cond3A_17 = arith.constant 0 : i32
    %cond3A_18 = arith.cmpi ne, %convert_element_type3A_16, %cond3A_17 : i32
    scf.if %cond3A_18 {
      %mul3A_26 = arith.constant 6400 : i32
      %mul3A_27 = arith.muli %add3A_13, %mul3A_26 : i32
      "tpu.region"() ({
        %run_scoped3A = tpu.sem_alloc : memref<!tpu.dma_semaphore, #tpu.memory_space<semaphore_mem>>
        %dma_start3A = tpu.memref_slice %arg2[%mul3A_27] : memref<800000xi32, #tpu.memory_space<hbm>> -> memref<6400xi32, #tpu.memory_space<hbm>>
        %dma_start3A_33 = tpu.memref_slice %arg2[%mul3A_27] : memref<800000xi32, #tpu.memory_space<hbm>> -> memref<6400xi32, #tpu.memory_space<hbm>>
        tpu.enqueue_dma source(%dma_start3A_33 : memref<6400xi32, #tpu.memory_space<hbm>>) target(%arg6 : memref<6400xi32, #tpu.memory_space<vmem>>) target_semaphore(%run_scoped3A : memref<!tpu.dma_semaphore, #tpu.memory_space<semaphore_mem>>)
        %dma_wait3A = tpu.memref_slice %arg2[%mul3A_27] : memref<800000xi32, #tpu.memory_space<hbm>> -> memref<6400xi32, #tpu.memory_space<hbm>>
        %dma_wait3A_34 = tpu.memref_slice %arg2[%mul3A_27] : memref<800000xi32, #tpu.memory_space<hbm>> -> memref<6400xi32, #tpu.memory_space<hbm>>
        tpu.wait_dma2 semaphore(%run_scoped3A : memref<!tpu.dma_semaphore, #tpu.memory_space<semaphore_mem>>) src(%dma_wait3A_34 : memref<6400xi32, #tpu.memory_space<hbm>>) dst(%arg6 : memref<6400xi32, #tpu.memory_space<vmem>>)
        tpu.yield
      }) : () -> ()
      "tpu.region"() ({
        %run_scoped3A = tpu.sem_alloc : memref<!tpu.dma_semaphore, #tpu.memory_space<semaphore_mem>>
        %dma_start3A = tpu.memref_slice %arg3[%mul3A_27] : memref<800000xi32, #tpu.memory_space<hbm>> -> memref<6400xi32, #tpu.memory_space<hbm>>
        %dma_start3A_33 = tpu.memref_slice %arg3[%mul3A_27] : memref<800000xi32, #tpu.memory_space<hbm>> -> memref<6400xi32, #tpu.memory_space<hbm>>
        tpu.enqueue_dma source(%dma_start3A_33 : memref<6400xi32, #tpu.memory_space<hbm>>) target(%arg7 : memref<6400xi32, #tpu.memory_space<vmem>>) target_semaphore(%run_scoped3A : memref<!tpu.dma_semaphore, #tpu.memory_space<semaphore_mem>>)
        %dma_wait3A = tpu.memref_slice %arg3[%mul3A_27] : memref<800000xi32, #tpu.memory_space<hbm>> -> memref<6400xi32, #tpu.memory_space<hbm>>
        %dma_wait3A_34 = tpu.memref_slice %arg3[%mul3A_27] : memref<800000xi32, #tpu.memory_space<hbm>> -> memref<6400xi32, #tpu.memory_space<hbm>>
        tpu.wait_dma2 semaphore(%run_scoped3A : memref<!tpu.dma_semaphore, #tpu.memory_space<semaphore_mem>>) src(%dma_wait3A_34 : memref<6400xi32, #tpu.memory_space<hbm>>) dst(%arg7 : memref<6400xi32, #tpu.memory_space<vmem>>)
        tpu.yield
      }) : () -> ()
      "tpu.region"() ({
        %run_scoped3A = tpu.sem_alloc : memref<!tpu.dma_semaphore, #tpu.memory_space<semaphore_mem>>
        %dma_start3A = tpu.memref_slice %arg4[%mul3A_27] : memref<800000xi32, #tpu.memory_space<hbm>> -> memref<6400xi32, #tpu.memory_space<hbm>>
        %dma_start3A_33 = tpu.memref_slice %arg4[%mul3A_27] : memref<800000xi32, #tpu.memory_space<hbm>> -> memref<6400xi32, #tpu.memory_space<hbm>>
        tpu.enqueue_dma source(%dma_start3A_33 : memref<6400xi32, #tpu.memory_space<hbm>>) target(%arg8 : memref<6400xi32, #tpu.memory_space<vmem>>) target_semaphore(%run_scoped3A : memref<!tpu.dma_semaphore, #tpu.memory_space<semaphore_mem>>)
        %dma_wait3A = tpu.memref_slice %arg4[%mul3A_27] : memref<800000xi32, #tpu.memory_space<hbm>> -> memref<6400xi32, #tpu.memory_space<hbm>>
        %dma_wait3A_34 = tpu.memref_slice %arg4[%mul3A_27] : memref<800000xi32, #tpu.memory_space<hbm>> -> memref<6400xi32, #tpu.memory_space<hbm>>
        tpu.wait_dma2 semaphore(%run_scoped3A : memref<!tpu.dma_semaphore, #tpu.memory_space<semaphore_mem>>) src(%dma_wait3A_34 : memref<6400xi32, #tpu.memory_space<hbm>>) dst(%arg8 : memref<6400xi32, #tpu.memory_space<vmem>>)
        tpu.yield
      }) : () -> ()
      %scan3A = arith.constant 0 : i32
      %scan3A_28 = arith.constant 0 : i32
      %scan3A_29 = arith.constant 400 : i32
      %scan3A_30 = arith.addi %scan3A_28, %scan3A_29 : i32
      %scan3A_31 = arith.constant 1 : i32
      scf.for %scan3A_33 = %scan3A_28 to %scan3A_30 step %scan3A_31  : i32 {
        %mul3A_34 = arith.constant 16 : i32
        %mul3A_35 = arith.muli %scan3A_33, %mul3A_34 : i32
        %get3A = arith.index_cast %mul3A_35 : i32 to index
        %get3A_36 = tpu.vector_load %arg6[%get3A] {strides = array<i32>} : memref<6400xi32, #tpu.memory_space<vmem>>, vector<16xi32>,
        %mul3A_37 = arith.constant 12 : i32
        %mul3A_38 = vector.broadcast %mul3A_37 : i32 to vector<16xi32>
        %mul3A_39 = arith.muli %get3A_36, %mul3A_38 : vector<16xi32>
        %get3A_40 = arith.index_cast %mul3A_35 : i32 to index
        %get3A_41 = tpu.vector_load %arg7[%get3A_40] {strides = array<i32>} : memref<6400xi32, #tpu.memory_space<vmem>>, vector<16xi32>,
        %mul3A_42 = arith.constant 2 : i32
        %mul3A_43 = vector.broadcast %mul3A_42 : i32 to vector<16xi32>
        %mul3A_44 = arith.muli %get3A_41, %mul3A_43 : vector<16xi32>
        %add3A_45 = arith.addi %mul3A_39, %mul3A_44 : vector<16xi32>
        %get3A_46 = arith.index_cast %mul3A_35 : i32 to index
        %get3A_47 = tpu.vector_load %arg8[%get3A_46] {strides = array<i32>} : memref<6400xi32, #tpu.memory_space<vmem>>, vector<16xi32>,
        %add3A_48 = arith.addi %add3A_45, %get3A_47 : vector<16xi32>
        %swap3A = arith.index_cast %mul3A_35 : i32 to index
        %swap3A_49 = tpu.vector_load %arg9[%swap3A] {strides = array<i32>} : memref<6400xi32, #tpu.memory_space<vmem>>, vector<16xi32>,
        tpu.vector_store %arg9[%swap3A], %add3A_48 {strides = array<i32>} : memref<6400xi32, #tpu.memory_space<vmem>>, vector<16xi32>,
      }
      %scan3A_32 = arith.constant 400 : i32
      "tpu.region"() ({
        %run_scoped3A = tpu.sem_alloc : memref<!tpu.dma_semaphore, #tpu.memory_space<semaphore_mem>>
        %dma_start3A = tpu.memref_slice %arg5[%mul3A_27] : memref<802816xi32, #tpu.memory_space<hbm>> -> memref<6400xi32, #tpu.memory_space<hbm>>
        %dma_start3A_33 = tpu.memref_slice %arg5[%mul3A_27] : memref<802816xi32, #tpu.memory_space<hbm>> -> memref<6400xi32, #tpu.memory_space<hbm>>
        tpu.enqueue_dma source(%arg9 : memref<6400xi32, #tpu.memory_space<vmem>>) target(%dma_start3A_33 : memref<6400xi32, #tpu.memory_space<hbm>>) target_semaphore(%run_scoped3A : memref<!tpu.dma_semaphore, #tpu.memory_space<semaphore_mem>>)
        %dma_wait3A = tpu.memref_slice %arg5[%mul3A_27] : memref<802816xi32, #tpu.memory_space<hbm>> -> memref<6400xi32, #tpu.memory_space<hbm>>
        %dma_wait3A_34 = tpu.memref_slice %arg5[%mul3A_27] : memref<802816xi32, #tpu.memory_space<hbm>> -> memref<6400xi32, #tpu.memory_space<hbm>>
        tpu.wait_dma2 semaphore(%run_scoped3A : memref<!tpu.dma_semaphore, #tpu.memory_space<semaphore_mem>>) src(%arg9 : memref<6400xi32, #tpu.memory_space<vmem>>) dst(%dma_wait3A_34 : memref<6400xi32, #tpu.memory_space<hbm>>)
        tpu.yield
      }) : () -> ()
    } else {
    }
    %add3A_19 = arith.constant 96 : i32
    %add3A_20 = arith.addi %add3A_19, %add3A : i32
    %lt3A_21 = arith.constant 125 : i32
    %lt3A_22 = arith.cmpi slt, %add3A_20, %lt3A_21 : i32
    %convert_element_type3A_23 = arith.extui %lt3A_22 : i1 to i32
    %cond3A_24 = arith.constant 0 : i32
    %cond3A_25 = arith.cmpi ne, %convert_element_type3A_23, %cond3A_24 : i32
    scf.if %cond3A_25 {
      %mul3A_26 = arith.constant 6400 : i32
      %mul3A_27 = arith.muli %add3A_20, %mul3A_26 : i32
      "tpu.region"() ({
        %run_scoped3A = tpu.sem_alloc : memref<!tpu.dma_semaphore, #tpu.memory_space<semaphore_mem>>
        %dma_start3A = tpu.memref_slice %arg2[%mul3A_27] : memref<800000xi32, #tpu.memory_space<hbm>> -> memref<6400xi32, #tpu.memory_space<hbm>>
        %dma_start3A_33 = tpu.memref_slice %arg2[%mul3A_27] : memref<800000xi32, #tpu.memory_space<hbm>> -> memref<6400xi32, #tpu.memory_space<hbm>>
        tpu.enqueue_dma source(%dma_start3A_33 : memref<6400xi32, #tpu.memory_space<hbm>>) target(%arg6 : memref<6400xi32, #tpu.memory_space<vmem>>) target_semaphore(%run_scoped3A : memref<!tpu.dma_semaphore, #tpu.memory_space<semaphore_mem>>)
        %dma_wait3A = tpu.memref_slice %arg2[%mul3A_27] : memref<800000xi32, #tpu.memory_space<hbm>> -> memref<6400xi32, #tpu.memory_space<hbm>>
        %dma_wait3A_34 = tpu.memref_slice %arg2[%mul3A_27] : memref<800000xi32, #tpu.memory_space<hbm>> -> memref<6400xi32, #tpu.memory_space<hbm>>
        tpu.wait_dma2 semaphore(%run_scoped3A : memref<!tpu.dma_semaphore, #tpu.memory_space<semaphore_mem>>) src(%dma_wait3A_34 : memref<6400xi32, #tpu.memory_space<hbm>>) dst(%arg6 : memref<6400xi32, #tpu.memory_space<vmem>>)
        tpu.yield
      }) : () -> ()
      "tpu.region"() ({
        %run_scoped3A = tpu.sem_alloc : memref<!tpu.dma_semaphore, #tpu.memory_space<semaphore_mem>>
        %dma_start3A = tpu.memref_slice %arg3[%mul3A_27] : memref<800000xi32, #tpu.memory_space<hbm>> -> memref<6400xi32, #tpu.memory_space<hbm>>
        %dma_start3A_33 = tpu.memref_slice %arg3[%mul3A_27] : memref<800000xi32, #tpu.memory_space<hbm>> -> memref<6400xi32, #tpu.memory_space<hbm>>
        tpu.enqueue_dma source(%dma_start3A_33 : memref<6400xi32, #tpu.memory_space<hbm>>) target(%arg7 : memref<6400xi32, #tpu.memory_space<vmem>>) target_semaphore(%run_scoped3A : memref<!tpu.dma_semaphore, #tpu.memory_space<semaphore_mem>>)
        %dma_wait3A = tpu.memref_slice %arg3[%mul3A_27] : memref<800000xi32, #tpu.memory_space<hbm>> -> memref<6400xi32, #tpu.memory_space<hbm>>
        %dma_wait3A_34 = tpu.memref_slice %arg3[%mul3A_27] : memref<800000xi32, #tpu.memory_space<hbm>> -> memref<6400xi32, #tpu.memory_space<hbm>>
        tpu.wait_dma2 semaphore(%run_scoped3A : memref<!tpu.dma_semaphore, #tpu.memory_space<semaphore_mem>>) src(%dma_wait3A_34 : memref<6400xi32, #tpu.memory_space<hbm>>) dst(%arg7 : memref<6400xi32, #tpu.memory_space<vmem>>)
        tpu.yield
      }) : () -> ()
      "tpu.region"() ({
        %run_scoped3A = tpu.sem_alloc : memref<!tpu.dma_semaphore, #tpu.memory_space<semaphore_mem>>
        %dma_start3A = tpu.memref_slice %arg4[%mul3A_27] : memref<800000xi32, #tpu.memory_space<hbm>> -> memref<6400xi32, #tpu.memory_space<hbm>>
        %dma_start3A_33 = tpu.memref_slice %arg4[%mul3A_27] : memref<800000xi32, #tpu.memory_space<hbm>> -> memref<6400xi32, #tpu.memory_space<hbm>>
        tpu.enqueue_dma source(%dma_start3A_33 : memref<6400xi32, #tpu.memory_space<hbm>>) target(%arg8 : memref<6400xi32, #tpu.memory_space<vmem>>) target_semaphore(%run_scoped3A : memref<!tpu.dma_semaphore, #tpu.memory_space<semaphore_mem>>)
        %dma_wait3A = tpu.memref_slice %arg4[%mul3A_27] : memref<800000xi32, #tpu.memory_space<hbm>> -> memref<6400xi32, #tpu.memory_space<hbm>>
        %dma_wait3A_34 = tpu.memref_slice %arg4[%mul3A_27] : memref<800000xi32, #tpu.memory_space<hbm>> -> memref<6400xi32, #tpu.memory_space<hbm>>
        tpu.wait_dma2 semaphore(%run_scoped3A : memref<!tpu.dma_semaphore, #tpu.memory_space<semaphore_mem>>) src(%dma_wait3A_34 : memref<6400xi32, #tpu.memory_space<hbm>>) dst(%arg8 : memref<6400xi32, #tpu.memory_space<vmem>>)
        tpu.yield
      }) : () -> ()
      %scan3A = arith.constant 0 : i32
      %scan3A_28 = arith.constant 0 : i32
      %scan3A_29 = arith.constant 400 : i32
      %scan3A_30 = arith.addi %scan3A_28, %scan3A_29 : i32
      %scan3A_31 = arith.constant 1 : i32
      scf.for %scan3A_33 = %scan3A_28 to %scan3A_30 step %scan3A_31  : i32 {
        %mul3A_34 = arith.constant 16 : i32
        %mul3A_35 = arith.muli %scan3A_33, %mul3A_34 : i32
        %get3A = arith.index_cast %mul3A_35 : i32 to index
        %get3A_36 = tpu.vector_load %arg6[%get3A] {strides = array<i32>} : memref<6400xi32, #tpu.memory_space<vmem>>, vector<16xi32>,
        %mul3A_37 = arith.constant 12 : i32
        %mul3A_38 = vector.broadcast %mul3A_37 : i32 to vector<16xi32>
        %mul3A_39 = arith.muli %get3A_36, %mul3A_38 : vector<16xi32>
        %get3A_40 = arith.index_cast %mul3A_35 : i32 to index
        %get3A_41 = tpu.vector_load %arg7[%get3A_40] {strides = array<i32>} : memref<6400xi32, #tpu.memory_space<vmem>>, vector<16xi32>,
        %mul3A_42 = arith.constant 2 : i32
        %mul3A_43 = vector.broadcast %mul3A_42 : i32 to vector<16xi32>
        %mul3A_44 = arith.muli %get3A_41, %mul3A_43 : vector<16xi32>
        %add3A_45 = arith.addi %mul3A_39, %mul3A_44 : vector<16xi32>
        %get3A_46 = arith.index_cast %mul3A_35 : i32 to index
        %get3A_47 = tpu.vector_load %arg8[%get3A_46] {strides = array<i32>} : memref<6400xi32, #tpu.memory_space<vmem>>, vector<16xi32>,
        %add3A_48 = arith.addi %add3A_45, %get3A_47 : vector<16xi32>
        %swap3A = arith.index_cast %mul3A_35 : i32 to index
        %swap3A_49 = tpu.vector_load %arg9[%swap3A] {strides = array<i32>} : memref<6400xi32, #tpu.memory_space<vmem>>, vector<16xi32>,
        tpu.vector_store %arg9[%swap3A], %add3A_48 {strides = array<i32>} : memref<6400xi32, #tpu.memory_space<vmem>>, vector<16xi32>,
      }
      %scan3A_32 = arith.constant 400 : i32
      "tpu.region"() ({
        %run_scoped3A = tpu.sem_alloc : memref<!tpu.dma_semaphore, #tpu.memory_space<semaphore_mem>>
        %dma_start3A = tpu.memref_slice %arg5[%mul3A_27] : memref<802816xi32, #tpu.memory_space<hbm>> -> memref<6400xi32, #tpu.memory_space<hbm>>
        %dma_start3A_33 = tpu.memref_slice %arg5[%mul3A_27] : memref<802816xi32, #tpu.memory_space<hbm>> -> memref<6400xi32, #tpu.memory_space<hbm>>
        tpu.enqueue_dma source(%arg9 : memref<6400xi32, #tpu.memory_space<vmem>>) target(%dma_start3A_33 : memref<6400xi32, #tpu.memory_space<hbm>>) target_semaphore(%run_scoped3A : memref<!tpu.dma_semaphore, #tpu.memory_space<semaphore_mem>>)
        %dma_wait3A = tpu.memref_slice %arg5[%mul3A_27] : memref<802816xi32, #tpu.memory_space<hbm>> -> memref<6400xi32, #tpu.memory_space<hbm>>
        %dma_wait3A_34 = tpu.memref_slice %arg5[%mul3A_27] : memref<802816xi32, #tpu.memory_space<hbm>> -> memref<6400xi32, #tpu.memory_space<hbm>>
        tpu.wait_dma2 semaphore(%run_scoped3A : memref<!tpu.dma_semaphore, #tpu.memory_space<semaphore_mem>>) src(%arg9 : memref<6400xi32, #tpu.memory_space<vmem>>) dst(%dma_wait3A_34 : memref<6400xi32, #tpu.memory_space<hbm>>)
        tpu.yield
      }) : () -> ()
    } else {
    }
    return
  }
}

module attributes {stable_mosaic.version = 14 : i64} {
  func.func @_tc_expand_body(%arg0: i32, %arg1: memref<16384xi32, #tpu.memory_space<vmem>>, %arg2: memref<64x64xbf16, #tpu.memory_space<vmem>>, %arg3: memref<64x64xbf16, #tpu.memory_space<vmem>>, %arg4: memref<16384x64xf32, #tpu.memory_space<vmem>>) attributes {dimension_semantics = [#tpu.dimension_semantics<arbitrary>], iteration_bounds = array<i64: 49>, scalar_prefetch = 0 : i64, scratch_operands = 0 : i64, tpu.core_type = #tpu.core_type<tc>, window_params = [{transform_indices = @transform_0, window_bounds = array<i64: 16384>}, {pipeline_mode = #tpu.pipeline_mode<synchronous>, transform_indices = @transform_1, window_bounds = array<i64: 64, 64>}, {pipeline_mode = #tpu.pipeline_mode<synchronous>, transform_indices = @transform_2, window_bounds = array<i64: 64, 64>}, {transform_indices = @transform_3, window_bounds = array<i64: 16384, 64>}]} {
    %get3A = arith.constant 0 : index
    %get3A_0 = vector.load %arg1[%get3A] : memref<16384xi32, #tpu.memory_space<vmem>>, vector<16384xi32>
    %reshape3A = vector.shape_cast %get3A_0 : vector<16384xi32> to vector<16384x1xi32>
    %iota3A = tpu.iota {dimensions = array<i32: 1>} : vector<16384x64xi32>
    %eq3A = vector.broadcast %reshape3A : vector<16384x1xi32> to vector<16384x64xi32>
    %eq3A_1 = arith.cmpi eq, %eq3A, %iota3A : vector<16384x64xi32>
    %convert_element_type3A = arith.extui %eq3A_1 : vector<16384x64xi1> to vector<16384x64xi32>
    %convert_element_type3A_2 = arith.sitofp %convert_element_type3A : vector<16384x64xi32> to vector<16384x64xf32>
    %convert_element_type3A_3 = arith.truncf %convert_element_type3A_2 : vector<16384x64xf32> to vector<16384x64xbf16>
    %get3A_4 = arith.constant 0 : index
    %get3A_5 = arith.constant 0 : index
    %get3A_6 = vector.load %arg2[%get3A_4, %get3A_5] : memref<64x64xbf16, #tpu.memory_space<vmem>>, vector<64x64xbf16>
    %dot_general3A = arith.constant dense<0.000000e+00> : vector<16384x64xf32>
    %dot_general3A_7 = tpu.matmul %convert_element_type3A_3, %get3A_6, %dot_general3A {dimension_numbers = #tpu.dot_dimension_numbers<[1], [0], [0], [1], [0, 0, 1, 1], [], []>, transpose_lhs_hint = false} : vector<16384x64xbf16>, vector<64x64xbf16>, vector<16384x64xf32> -> vector<16384x64xf32>
    %get3A_8 = arith.constant 0 : index
    %get3A_9 = arith.constant 0 : index
    %get3A_10 = vector.load %arg3[%get3A_8, %get3A_9] : memref<64x64xbf16, #tpu.memory_space<vmem>>, vector<64x64xbf16>
    %dot_general3A_11 = arith.constant dense<0.000000e+00> : vector<16384x64xf32>
    %dot_general3A_12 = tpu.matmul %convert_element_type3A_3, %get3A_10, %dot_general3A_11 {dimension_numbers = #tpu.dot_dimension_numbers<[1], [0], [0], [1], [0, 0, 1, 1], [], []>, transpose_lhs_hint = false} : vector<16384x64xbf16>, vector<64x64xbf16>, vector<16384x64xf32> -> vector<16384x64xf32>
    %add3A = arith.addf %dot_general3A_7, %dot_general3A_12 : vector<16384x64xf32>
    %swap3A = arith.constant 0 : index
    %swap3A_13 = arith.constant 0 : index
    %swap3A_14 = vector.load %arg4[%swap3A, %swap3A_13] : memref<16384x64xf32, #tpu.memory_space<vmem>>, vector<16384x64xf32>
    tpu.vector_store %arg4[%swap3A, %swap3A_13], %add3A {strides = array<i32>} : memref<16384x64xf32, #tpu.memory_space<vmem>>, vector<16384x64xf32>,
    return
  }
  func.func @transform_0(%arg0: i32) -> i32 {
    %c0_i32 = arith.constant 0 : i32
    return %arg0 : i32
  }
  func.func @transform_1(%arg0: i32) -> (i32, i32) {
    %c0_i32 = arith.constant 0 : i32
    %c0_i32_0 = arith.constant 0 : i32
    %c0_i32_1 = arith.constant 0 : i32
    return %c0_i32, %c0_i32_0 : i32, i32
  }
  func.func @transform_2(%arg0: i32) -> (i32, i32) {
    %c0_i32 = arith.constant 0 : i32
    %c0_i32_0 = arith.constant 0 : i32
    %c0_i32_1 = arith.constant 0 : i32
    return %c0_i32, %c0_i32_0 : i32, i32
  }
  func.func @transform_3(%arg0: i32) -> (i32, i32) {
    %c0_i32 = arith.constant 0 : i32
    %c0_i32_0 = arith.constant 0 : i32
    return %arg0, %c0_i32 : i32, i32
  }
}

</mosaic_0001>

<sc_bundles>
// kernel: kernel.4.cloned.1.call-start
scs
__scs_entry_jumppad:
0x0: {  	(pc) =	sbr.rel $0x88, $3  }
0x1: {  	(tag) =	ssettag $0x0;
	lr =	simm.s32 $0x1  }
0x2: {  	[smem:$0x3F9D] =	sst lr;
	_ =	strace $0xD0000000  }
0x3: {  	_ = 	snop  }
0x4: {  	_ = 	snop  }
0x5: {  	_ = 	snop  }
0x6: {  	_ = 	snop  }
0x7: {  	_ = 	snop  }
__scs_overlays_trampoline_lowered:
0x8: {  	[smem:$0x3FAC] =	sst s0  }
0x9: {  	[smem:$0x3FAD] =	sst s1  }
0xa: {  	[smem:$0x3FAE] =	sst s2  }
0xb: {  	[smem:$0x3FAF] =	sst s3  }
0xc: {  	[smem:$0x3FB0] =	sst s4  }
0xd: {  	[smem:$0x3FB1] =	sst s5  }
0xe: {  	[smem:$0x3FB2] =	sst s6  }
0xf: {  	[smem:$0x3FB3] =	sst s7  }
0x10: {  	[smem:$0x3FB4] =	sst s8  }
0x11: {  	[smem:$0x3FB5] =	sst s9;
	s0 =	simm.s32 @!p0 $0x0  }
0x12: {  	s1 =	sld [smem:$0x3F9B];
	s0 =	simm.s32 @p0 $0x1  }
0x13: {  	[smem:$0x3FB6] =	sst s0;
	s0 =	simm.s32 @!p1 $0x0  }
0x14: {  	s2 =	sld [smem:$0x3F9A];
	s0 =	simm.s32 @p1 $0x1  }
0x15: {  	[smem:$0x3FB7] =	sst s0;
	s0 =	simm.s32 @!p2 $0x0  }
0x16: {  	s3 =	sld [smem:$0x3FDB];
	s0 =	simm.s32 @p2 $0x1  }
0x17: {  	s4 =	simm.s32 $0x1BF5;
	[smem:$0x3FB9] =	sst s0  }
0x18: {  	s0 =	sld [smem:$0x3F9C];
	_ =	swait.ge [sflag:s4], $0x0  }
0x19: {  	s7 =	sld [smem:$0x3F9D]  }
0x1a: {  	s8 =	sadd.s32 $0xFFFFE003, lr  }
0x1b: {  	s9 =	sadd.s32 $0xFFFFFEF7, lr;
	s5 =	simm.s32 $0xFFFFFFFF;
	p2 =	slt.u32 s8, $0xFFFFF086  }
0x1c: {  	p1 =	slt.u32 s9, $0xF7A;
	s5 =	simm.s32 @!p2 $0x0  }
0x1d: {  	s5 =	simm.s32 @p1 $0x1;
	p0 =	seq.s32 s7, s2  }
0x1e: {  	s7 =	smul.u32 @!p0 $0xF7A, s2;
	p2 =	seq.s32 @!p0 s5, $0x0  }
0x1f: {  	s9 =	smul.u32 $0xF7A, s1;
	s8 =	simm.s32 @!p0 $0x1BF5;
	p2 =	por !p2, p0  }
0x20: {  	[sflag:s8] =	ssyncset.s32 @!p0 $0xFFFFF086;
	s6 =	sadd.s32 @!p0 s3, s7;
	s7 =	simm.s32 @!p0 $0x108  }
0x21: {  	s3 =	sadd.s32 s3, s9;
	s6 =	sadd.s32 @!p0 $0x88, s6;
	s7 =	simm.s32 @p2 $0x1082  }
0x22: {  	[simem:s7], [sflag:s8] =	dma.local @!p0 [hbm:s6], $0xF7A  }
0x23: {  	s9 =	sor.u32 $0xD0000000, s2;
	s6 =	simm.s32 $0x108;
	_ =	swait.ge @!p0 [sflag:s8], $0x0  }
0x24: {  	s3 =	sadd.s32 $0x88, s3;
	s6 =	simm.s32 @!p1 $0x1082;
	[sflag:s4] =	ssyncset.s32 $0xFFFFF086  }
0x25: {  	[simem:s6], [sflag:s4] =	dma.local [hbm:s3], $0xF7A  }
0x26: {  	[smem:$0x3F9D] =	sst s1;
	(tag) =	ssettag s2;
	_ =	strace s9  }
0x27: {  	s1 =	sld [smem:$0x3FAD]  }
0x28: {  	s2 =	sld [smem:$0x3FAE]  }
0x29: {  	s4 =	sld [smem:$0x3FB0]  }
0x2a: {  	p0 =	seq.s32 s5, $0x0;
	s5 =	sld [smem:$0x3FB1]  }
0x2b: {  	s6 =	sld [smem:$0x3FB2]  }
0x2c: {  	s7 =	sld [smem:$0x3FB3]  }
0x2d: {  	s3 =	simm.s32 $0x108;
	s8 =	sld [smem:$0x3FB4]  }
0x2e: {  	s3 =	simm.s32 @!p0 $0x1082;
	s9 =	sld [smem:$0x3FB5]  }
0x2f: {  	lr =	sadd.s32 s0, s3;
	s0 =	sld [smem:$0x3FAC]  }
0x30: {  	s3 =	sld [smem:$0x3FAF]  }
0x31: {  	[smem:$0x3FB8] =	sst s10  }
0x32: {  	s10 =	sld [smem:$0x3FB6];
	_ =	sdelay $0x3  }
0x33: {  	p0 =	seq.s32 s10, $0x1;
	s10 =	sld [smem:$0x3FB8];
	_ =	sdelay $0x3  }
0x34: {  	[smem:$0x3FB8] =	sst s10  }
0x35: {  	s10 =	sld [smem:$0x3FB7];
	_ =	sdelay $0x3  }
0x36: {  	p1 =	seq.s32 s10, $0x1;
	s10 =	sld [smem:$0x3FB8];
	_ =	sdelay $0x3  }
0x37: {  	[smem:$0x3FB8] =	sst s10  }
0x38: {  	s10 =	sld [smem:$0x3FB9]  }
0x39: {  	_ = 	snop;
	(pc) =	sbr.ind lr, $3  }
0x3a: {  	_ = 	snop  }
0x3b: {  	_ = 	snop  }
0x3c: {  	p2 =	seq.s32 s10, $0x1;
	s10 =	sld [smem:$0x3FB8]  }
0x3d: {  	_ =	shalt  }
0x3e: {  	_ =	shalt  }
0x3f: {  	_ =	shalt  }
0x40: {  	_ =	shalt  }
0x41: {  	_ =	shalt  }
0x42: {  	_ =	shalt  }
0x43: {  	_ =	shalt  }
0x44: {  	_ =	shalt  }
0x45: {  	_ =	shalt  }
0x46: {  	_ =	shalt  }
0x47: {  	_ =	shalt  }
0x48: {  	_ =	shalt  }
0x49: {  	_ =	shalt  }
0x4a: {  	_ =	shalt  }
0x4b: {  	_ =	shalt  }
0x4c: {  	_ =	shalt  }
0x4d: {  	_ =	shalt  }
0x4e: {  	_ =	shalt  }
0x4f: {  	_ =	shalt  }
0x50: {  	_ =	shalt  }
0x51: {  	_ =	shalt  }
0x52: {  	_ =	shalt  }
0x53: {  	_ =	shalt  }
0x54: {  	_ =	shalt  }
0x55: {  	_ =	shalt  }
0x56: {  	_ =	shalt  }
0x57: {  	_ =	shalt  }
0x58: {  	_ =	shalt  }
0x59: {  	_ =	shalt  }
0x5a: {  	_ =	shalt  }
0x5b: {  	_ =	shalt  }
0x5c: {  	_ =	shalt  }
0x5d: {  	_ =	shalt  }
0x5e: {  	_ =	shalt  }
0x5f: {  	_ =	shalt  }
0x60: {  	_ =	shalt  }
0x61: {  	_ =	shalt  }
0x62: {  	_ =	shalt  }
0x63: {  	_ =	shalt  }
0x64: {  	_ =	shalt  }
0x65: {  	_ =	shalt  }
0x66: {  	_ =	shalt  }
0x67: {  	_ =	shalt  }
0x68: {  	_ =	shalt  }
0x69: {  	_ =	shalt  }
0x6a: {  	_ =	shalt  }
0x6b: {  	_ =	shalt  }
0x6c: {  	_ =	shalt  }
0x6d: {  	_ =	shalt  }
0x6e: {  	_ =	shalt  }
0x6f: {  	_ =	shalt  }
0x70: {  	_ =	shalt  }
0x71: {  	_ =	shalt  }
0x72: {  	_ =	shalt  }
0x73: {  	_ =	shalt  }
0x74: {  	_ =	shalt  }
0x75: {  	_ =	shalt  }
0x76: {  	_ =	shalt  }
0x77: {  	_ =	shalt  }
0x78: {  	_ =	shalt  }
0x79: {  	_ =	shalt  }
0x7a: {  	_ =	shalt  }
0x7b: {  	_ =	shalt  }
0x7c: {  	_ =	shalt  }
0x7d: {  	_ =	shalt  }
0x7e: {  	_ =	shalt  }
0x7f: {  	_ =	shalt  }
0x80: {  	_ =	shalt  }
0x81: {  	_ =	shalt  }
0x82: {  	_ =	shalt  }
0x83: {  	_ =	shalt  }
0x84: {  	_ =	shalt  }
0x85: {  	_ =	shalt  }
0x86: {  	_ =	shalt  }
0x87: {  	_ =	shalt  }
.Lfunc_end0:
.L_simem_size_0:
called_computation_lowered:
.L_overlay_start_0:
0x88: {  	s2 =	sld [smem:$0x3FD9]  }
0x89: {  	s3 =	sld [smem:$0x3FFE];
	_ =	sdelay $0x1  }
0x8a: {  	s1 =	srdreg.scid  }
0x8b: {  	s0 =	sand.u32 $0x1, s1  }
0x8c: {  	s17 =	sshll.u32 s0, $0xA;
	s2 =	sadd.s32 s3, s2  }
0x8d: {  	s2 =	sadd.s32 s2, s17  }
0x8e: {  	[smem:$0x3FC4] =	sst s2  }
0x8f: {  	_ = 	snop  }
0x90: {  	s2 =	sld [smem:$0x3FD0];
	(tm) =	ssettm $0x1  }
0x91: {  	s18 =	sld [smem:$0x3FFB];
	_ =	sdelay $0x3  }
0x92: {  	_ =	strace s18  }
0x93: {  	s3 =	sld [smem:$0x3FFC];
	_ =	sdelay $0x3  }
0x94: {  	_ =	strace s3  }
0x95: {  	s3 =	sld [smem:$0x3FFD];
	_ =	sdelay $0x3  }
0x96: {  	_ =	strace s3  }
0x97: {  	_ =	strace $0x8FFFFFFF  }
0x98: {  	s19 =	sld [smem:$0x3FDB];
	_ =	sdelay $0x1  }
0x99: {  	s4 =	simm.s32 $_scs_section_size  }
0x9a: {  	s5 =	simm.s32 $_size__tile_overlayer_lowered;
	s6 =	simm.s32 $_tile_overlayer_lowered  }
0x9b: {  	s22 =	simm.s32 $0x1BFF;
	s21 =	sshll.u32 s6, $0x1;
	s3 =	sadd.s32 s4, s19  }
0x9c: {  	s7 =	simm.s32 $0x0;
	s20 =	sshll.u32 s5, $0x1;
	s5 =	sadd.s32 s21, s3  }
0x9d: {  	[timem:s7], [sflag:s22] =	dma.local [hbm:s5], s20  }
0x9e: {  	_ =	swait.ge [sflag:s22], s20  }
0x9f: {  	s4 =	ssub.s32 $0x0, s20;
	[sflag:s22] =	ssyncset.done $0x0  }
0xa0: {  	[sflag:s22] =	ssyncadd.s32 s4;
	_ =	sdelay $0x1  }
0xa1: {  	s23 =	simm.s32 $0x1B8B  }
0xa2: {  	_ =	swait.ge [sflag:s23], $0x1  }
0xa3: {  	[sflag:s23] =	ssyncset.done $0x0  }
0xa4: {  	s25 =	simm.s32 $0x1B8E;
	s24 =	sld [smem:$0x3FFE];
	[sflag:s23] =	ssyncadd.s32 $0xFFFFFFFF  }
0xa5: {  	s26 =	simm.s32 $execute0_lowered;
	[smem:$0x3FD2] =	sst s25  }
0xa6: {  	s5 =	sshll.u32 s26, $0x1;
	_ =	strace $0x80000046;
	[dreg:$0x1] =	wrdreg $0xFFFFFFFF  }
0xa7: {  	s28 =	simm.s32 $_size_execute0_lowered;
	s3 =	sadd.s32 s3, s5;
	[dreg:$0x0] =	wrdreg $0x0  }
0xa8: {  	s5 =	sshll.u32 s28, $0x1;
	[dreg:$0x2] =	wrdreg s3  }
0xa9: {  	[dreg:$0x3] =	wrdreg s5  }
0xaa: {  	[dreg:$0x4] =	wrdreg $0xC0  }
0xab: {  	_ =	task [dreg:s7], $0x5FFFF  }
0xac: {  	[dreg:$0x1] =	wrdreg $0xFFFFFFFF  }
0xad: {  	[dreg:$0x0] =	wrdreg $0x60  }
0xae: {  	[dreg:$0x2] =	wrdreg s24  }
0xaf: {  	[dreg:$0x3] =	wrdreg s2  }
0xb0: {  	[dreg:$0x4] =	wrdreg $0x9  }
0xb1: {  	_ =	task.clear_ibuf [dreg:s7], $0x5FFFF;
	_ =	strace $0x90000046  }
0xb2: {  	s29 =	simm.s32 $0x9;
	_ =	strace $0x80000048  }
0xb3: {  	_ =	swait.ge [sflag:s29], $0x1  }
0xb4: {  	[sflag:s29] =	ssyncadd.s32 $0xFFFFFFFF  }
0xb5: {  	_ =	strace $0x90000048  }
0xb6: {  	_ =	sfence  }
0xb7: {  	s30 =	sld [smem:$0x0];
	_ =	sdelay $0x2  }
0xb8: {  	s31 =	sshll.u32 s1, $0xD;
	s1 =	sshrl.u32 s1, $0x2  }
0xb9: {  	s3 =	sand.u32 $0x4000, s31;
	s1 =	sadd.s32 s1, s30  }
0xba: {  	s0 =	sor.u32 s3, s0;
	s1 =	sshll.u32 s1, $0x11  }
0xbb: {  	s0 =	sor.u32 s1, s0  }
0xbc: {  	s0 =	sadd.s32 $0x8F2B, s0  }
0xbd: {  	[sflag:s0] =	ssyncadd.remote.s32 $0x1  }
0xbe: {  	_ =	sfence.sel $0xFFFF  }
0xbf: {  	[dreg:$0x0] =	wrdreg $0xFFFFFFFF;
	(pc) =	sbr.abs _section_cstart, $3  }
0xc0: {  	[dreg:$0x1] =	wrdreg $0xFFFFFFFF  }
0xc1: {  	_ =	task.clear_ibuf [dreg:s7], $0x2FFFF;
	_ =	strace $0x9FFFFFFF  }
0xc2: {  	(tm) =	ssettm $0x7FFFFFFF  }
0xc3: {  	_ =	shalt  }
tec
execute0_lowered:
.L_overlay_start_1:
0x0: {  	(tag) =	ssettag $0x1  }
0x1: {  	s17 =	rddreg [dreg:$0x0];
	s1 =	srdreg.scid  }
0x2: {  	s0 =	stileid.u32;
	s18 =	rddreg [dreg:$0x1]  }
0x3: {  	s2 =	simm.s32 $0x0;
	s22 =	simm.s32 $0x3200;
	s23 =	simm.s32 $0x4B00  }
0x4: {  	s3 =	sand.u32 $0x1, s1;
	s4 =	sshll.u32 s0, $0x1;
	s1 =	rddreg [dreg:$0x2]  }
0x5: {  	[smem:$0x7FF] =	sst s2;
	s15 =	sadd.s32 $0x31000, s17;
	s24 =	sor.u32 s3, s4  }
0x6: {  	s16 =	sadd.s32 $0x18800, s17;
	s3 =	ssub.s32 $0x2, s3;
	s6 =	smul.u32 $0x320, s24  }
0x7: {  	_ =	strace $0x80000047;
	s31 =	sshrl.u32 s3, $0x1;
	s5 =	smul.u32 $0x1900, s24  }
0x8: {  	p0 =	sgt.u32 s24, $0x1C;
	s24 =	simm.s32 $0x0;
	s19 =	ssub.s32 s3, s31  }
0x9: {  	s3 =	sadd.s32 s15, s6;
	s4 =	sadd.s32 s16, s6;
	s14 =	sshrl.u32 s5, $0x3  }
0xa: {  	s5 =	sadd.s32 s17, s6;
	s6 =	sadd.s32 s18, s6;
	s19 =	smax.u32 s19, $0x1  }
0xb: {  	s10 =	sadd.s32 $0x6400, s14;
	s20 =	sadd.s32 $0xC800, s14;
	s21 =	sadd.s32 $0x12C00, s14  }
.Ltmp0:
0xc: {  	s7 =	sadd.s32 s15, s10;
	s8 =	sadd.s32 s16, s10;
	(pc) =	sbr.rel .LBB2_1-.Ltmp0, $4  }
0xd: {  	s9 =	sadd.s32 s17, s10;
	s10 =	sadd.s32 s18, s10;
	s11 =	sadd.s32 s15, s20  }
0xe: {  	s12 =	sadd.s32 s16, s20;
	s13 =	sadd.s32 s17, s20;
	s14 =	sadd.s32 s18, s20  }
0xf: {  	s15 =	sadd.s32 s15, s21;
	s16 =	sadd.s32 s16, s21;
	s17 =	sadd.s32 s17, s21  }
0x10: {  	s18 =	sadd.s32 s18, s21;
	s20 =	simm.s32 $0x1;
	s21 =	simm.s32 $0x1900  }
.LBB2_10:
0x11: {  	v0 =	vmul.u32 $0xC, v0  }
0x12: {  	v1 =	vshll.u32 v1, $0x1  }
0x13: {  	v0 =	vadd.s32 v0, v1  }
0x14: {  	v0 =	vadd.s32 v2, v0  }
0x15: {  	[tilespmem:s25+$0x4B00] =	vst v0  }
0x16: {  	[hbm4b:s18+s2] =	stream.linear.scatter [tilespmem:s23], [sflag:$0x1], $0x1900, $0x38;
	[tilespmem:$0x6400] =	vst v63  }
0x17: {  	_ =	swait.ge [sflag:s20], $0x1900  }
0x18: {  	[sflag:s20] =	ssyncset.done $0x0  }
0x19: {  	[sflag:s20] =	ssyncadd.s32 $0xFFFFE700  }
.LBB2_11:
0x1a: {  	s24 =	sadd.s32 $0x1, s24  }
0x1b: {  	p1 =	sne.s32 s24, s19  }
.Ltmp1:
0x1c: {  	_ = 	snop;
	(pc) =	sbr.rel @!p1 .LBB2_12-.Ltmp1, $1  }
0x1d: {  	_ =	sdelay $0x3  }
.LBB2_1:
0x1e: {  	[tilespmem:s2], [sflag:$0x1] =	stream.linear.gather [hbm4b:s3+s2], $0x1900, $0x38;
	[tilespmem:$0x6400] =	vst v63  }
0x1f: {  	_ =	swait.ge [sflag:s20], $0x1900  }
0x20: {  	[sflag:s20] =	ssyncset.done $0x0  }
0x21: {  	[sflag:s20] =	ssyncadd.s32 $0xFFFFE700  }
0x22: {  	[tilespmem:s21], [sflag:$0x1] =	stream.linear.gather [hbm4b:s4+s2], $0x1900, $0x38;
	[tilespmem:$0x6400] =	vst v63  }
0x23: {  	_ =	swait.ge [sflag:s20], $0x1900  }
0x24: {  	[sflag:s20] =	ssyncset.done $0x0  }
0x25: {  	[sflag:s20] =	ssyncadd.s32 $0xFFFFE700  }
0x26: {  	[tilespmem:s22], [sflag:$0x1] =	stream.linear.gather [hbm4b:s5+s2], $0x1900, $0x38;
	[tilespmem:$0x6400] =	vst v63  }
0x27: {  	_ =	swait.ge [sflag:s20], $0x1900  }
0x28: {  	[sflag:s20] =	ssyncset.done $0x0  }
0x29: {  	s25 =	simm.s32 $0x0;
	[sflag:s20] =	ssyncadd.s32 $0xFFFFE700  }
0x2a: {  	v0 =	vld [tilespmem:s25+$0x0]  }
0x2b: {  	v1 =	vld [tilespmem:s25+$0x1900];
	_ =	sdelay $0x1  }
0x2c: {  	s26 =	simm.s32 $0x40;
	v2 =	vld [tilespmem:s25+$0x3200]  }
.LBB2_2:
0x2d: {  	p1 =	sne.s32 s26, $0x63C0  }
.Ltmp2:
0x2e: {  	s28 =	sshra.s32 s26, $0x2;
	s26 =	sadd.s32 $0x40, s26;
	v3 =	vmul.u32 $0xC, v0;
	(pc) =	sbr.rel @p1 .LBB2_2-.Ltmp2, $4  }
0x2f: {  	v0 =	vld [tilespmem:s28+$0x0];
	v4 =	vshll.u32 v1, $0x1  }
0x30: {  	v1 =	vld [tilespmem:s28+$0x1900];
	v3 =	vadd.s32 v3, v4  }
0x31: {  	v3 =	vadd.s32 v2, v3  }
0x32: {  	v2 =	vld [tilespmem:s28+$0x3200];
	[tilespmem:s25+$0x4B00] =	vst v3;
	s25 =	smov.u32 s28  }
0x33: {  	_ = 	snop  }
0x34: {  	v0 =	vmul.u32 $0xC, v0  }
0x35: {  	v1 =	vshll.u32 v1, $0x1  }
0x36: {  	v0 =	vadd.s32 v0, v1  }
0x37: {  	v0 =	vadd.s32 v2, v0  }
0x38: {  	s31 =	simm.s32 $0x0;
	[tilespmem:s25+$0x4B00] =	vst v0  }
0x39: {  	[hbm4b:s6+s31] =	stream.linear.scatter [tilespmem:s23], [sflag:$0x1], $0x1900, $0x38;
	[tilespmem:$0x6400] =	vst v63  }
0x3a: {  	_ =	swait.ge [sflag:s20], $0x1900  }
0x3b: {  	[sflag:s20] =	ssyncset.done $0x0  }
0x3c: {  	[sflag:s20] =	ssyncadd.s32 $0xFFFFE700  }
0x3d: {  	[tilespmem:s31], [sflag:$0x1] =	stream.linear.gather [hbm4b:s7+s31], $0x1900, $0x38;
	[tilespmem:$0x6400] =	vst v63  }
0x3e: {  	_ =	swait.ge [sflag:s20], $0x1900  }
0x3f: {  	[sflag:s20] =	ssyncset.done $0x0  }
0x40: {  	[sflag:s20] =	ssyncadd.s32 $0xFFFFE700  }
0x41: {  	[tilespmem:s21], [sflag:$0x1] =	stream.linear.gather [hbm4b:s8+s31], $0x1900, $0x38;
	[tilespmem:$0x6400] =	vst v63  }
0x42: {  	_ =	swait.ge [sflag:s20], $0x1900  }
0x43: {  	[sflag:s20] =	ssyncset.done $0x0  }
0x44: {  	[sflag:s20] =	ssyncadd.s32 $0xFFFFE700  }
0x45: {  	[tilespmem:s22], [sflag:$0x1] =	stream.linear.gather [hbm4b:s9+s31], $0x1900, $0x38;
	[tilespmem:$0x6400] =	vst v63  }
0x46: {  	_ =	swait.ge [sflag:s20], $0x1900  }
0x47: {  	[sflag:s20] =	ssyncset.done $0x0  }
0x48: {  	s25 =	simm.s32 $0x0;
	[sflag:s20] =	ssyncadd.s32 $0xFFFFE700  }
0x49: {  	v0 =	vld [tilespmem:s25+$0x0]  }
0x4a: {  	v1 =	vld [tilespmem:s25+$0x1900];
	_ =	sdelay $0x1  }
0x4b: {  	s26 =	simm.s32 $0x40;
	v2 =	vld [tilespmem:s25+$0x3200]  }
.LBB2_4:
0x4c: {  	p1 =	sne.s32 s26, $0x63C0  }
.Ltmp3:
0x4d: {  	s28 =	sshra.s32 s26, $0x2;
	s26 =	sadd.s32 $0x40, s26;
	v3 =	vmul.u32 $0xC, v0;
	(pc) =	sbr.rel @p1 .LBB2_4-.Ltmp3, $4  }
0x4e: {  	v0 =	vld [tilespmem:s28+$0x0];
	v4 =	vshll.u32 v1, $0x1  }
0x4f: {  	v1 =	vld [tilespmem:s28+$0x1900];
	v3 =	vadd.s32 v3, v4  }
0x50: {  	v3 =	vadd.s32 v2, v3  }
0x51: {  	v2 =	vld [tilespmem:s28+$0x3200];
	[tilespmem:s25+$0x4B00] =	vst v3;
	s25 =	smov.u32 s28  }
0x52: {  	_ = 	snop  }
0x53: {  	v0 =	vmul.u32 $0xC, v0  }
0x54: {  	v1 =	vshll.u32 v1, $0x1  }
0x55: {  	v0 =	vadd.s32 v0, v1  }
0x56: {  	v0 =	vadd.s32 v2, v0  }
0x57: {  	s31 =	simm.s32 $0x0;
	[tilespmem:s25+$0x4B00] =	vst v0  }
0x58: {  	[hbm4b:s10+s31] =	stream.linear.scatter [tilespmem:s23], [sflag:$0x1], $0x1900, $0x38;
	[tilespmem:$0x6400] =	vst v63  }
0x59: {  	_ =	swait.ge [sflag:s20], $0x1900  }
0x5a: {  	[sflag:s20] =	ssyncset.done $0x0  }
0x5b: {  	[sflag:s20] =	ssyncadd.s32 $0xFFFFE700  }
0x5c: {  	[tilespmem:s31], [sflag:$0x1] =	stream.linear.gather [hbm4b:s11+s31], $0x1900, $0x38;
	[tilespmem:$0x6400] =	vst v63  }
0x5d: {  	_ =	swait.ge [sflag:s20], $0x1900  }
0x5e: {  	[sflag:s20] =	ssyncset.done $0x0  }
0x5f: {  	[sflag:s20] =	ssyncadd.s32 $0xFFFFE700  }
0x60: {  	[tilespmem:s21], [sflag:$0x1] =	stream.linear.gather [hbm4b:s12+s31], $0x1900, $0x38;
	[tilespmem:$0x6400] =	vst v63  }
0x61: {  	_ =	swait.ge [sflag:s20], $0x1900  }
0x62: {  	[sflag:s20] =	ssyncset.done $0x0  }
0x63: {  	[sflag:s20] =	ssyncadd.s32 $0xFFFFE700  }
0x64: {  	[tilespmem:s22], [sflag:$0x1] =	stream.linear.gather [hbm4b:s13+s31], $0x1900, $0x38;
	[tilespmem:$0x6400] =	vst v63  }
0x65: {  	_ =	swait.ge [sflag:s20], $0x1900  }
0x66: {  	[sflag:s20] =	ssyncset.done $0x0  }
0x67: {  	s25 =	simm.s32 $0x0;
	[sflag:s20] =	ssyncadd.s32 $0xFFFFE700  }
0x68: {  	v0 =	vld [tilespmem:s25+$0x0]  }
0x69: {  	v1 =	vld [tilespmem:s25+$0x1900];
	_ =	sdelay $0x1  }
0x6a: {  	s26 =	simm.s32 $0x40;
	v2 =	vld [tilespmem:s25+$0x3200]  }
.LBB2_6:
0x6b: {  	p1 =	sne.s32 s26, $0x63C0  }
.Ltmp4:
0x6c: {  	s28 =	sshra.s32 s26, $0x2;
	s26 =	sadd.s32 $0x40, s26;
	v3 =	vmul.u32 $0xC, v0;
	(pc) =	sbr.rel @p1 .LBB2_6-.Ltmp4, $4  }
0x6d: {  	v0 =	vld [tilespmem:s28+$0x0];
	v4 =	vshll.u32 v1, $0x1  }
0x6e: {  	v1 =	vld [tilespmem:s28+$0x1900];
	v3 =	vadd.s32 v3, v4  }
0x6f: {  	v3 =	vadd.s32 v2, v3  }
0x70: {  	v2 =	vld [tilespmem:s28+$0x3200];
	[tilespmem:s25+$0x4B00] =	vst v3;
	s25 =	smov.u32 s28  }
0x71: {  	_ = 	snop  }
0x72: {  	v0 =	vmul.u32 $0xC, v0  }
0x73: {  	v1 =	vshll.u32 v1, $0x1  }
0x74: {  	v0 =	vadd.s32 v0, v1  }
0x75: {  	v0 =	vadd.s32 v2, v0  }
.Ltmp5:
0x76: {  	[tilespmem:s25+$0x4B00] =	vst v0;
	(pc) =	sbr.rel @p0 .LBB2_11-.Ltmp5, $4  }
0x77: {  	[hbm4b:s14+s2] =	stream.linear.scatter [tilespmem:s23], [sflag:$0x1], $0x1900, $0x38;
	[tilespmem:$0x6400] =	vst v63  }
0x78: {  	_ =	swait.ge [sflag:s20], $0x1900  }
0x79: {  	[sflag:s20] =	ssyncset.done $0x0  }
0x7a: {  	[sflag:s20] =	ssyncadd.s32 $0xFFFFE700  }
0x7b: {  	s25 =	simm.s32 $0x0  }
0x7c: {  	[tilespmem:s25], [sflag:$0x1] =	stream.linear.gather [hbm4b:s15+s25], $0x1900, $0x38;
	[tilespmem:$0x6400] =	vst v63  }
0x7d: {  	_ =	swait.ge [sflag:s20], $0x1900  }
0x7e: {  	[sflag:s20] =	ssyncset.done $0x0  }
0x7f: {  	[sflag:s20] =	ssyncadd.s32 $0xFFFFE700  }
0x80: {  	[tilespmem:s21], [sflag:$0x1] =	stream.linear.gather [hbm4b:s16+s25], $0x1900, $0x38;
	[tilespmem:$0x6400] =	vst v63  }
0x81: {  	_ =	swait.ge [sflag:s20], $0x1900  }
0x82: {  	[sflag:s20] =	ssyncset.done $0x0  }
0x83: {  	[sflag:s20] =	ssyncadd.s32 $0xFFFFE700  }
0x84: {  	[tilespmem:s22], [sflag:$0x1] =	stream.linear.gather [hbm4b:s17+s25], $0x1900, $0x38;
	[tilespmem:$0x6400] =	vst v63  }
0x85: {  	_ =	swait.ge [sflag:s20], $0x1900  }
0x86: {  	[sflag:s20] =	ssyncset.done $0x0  }
0x87: {  	s25 =	simm.s32 $0x0;
	[sflag:s20] =	ssyncadd.s32 $0xFFFFE700  }
0x88: {  	v0 =	vld [tilespmem:s25+$0x0]  }
0x89: {  	v1 =	vld [tilespmem:s25+$0x1900];
	_ =	sdelay $0x1  }
0x8a: {  	s26 =	simm.s32 $0x40;
	v2 =	vld [tilespmem:s25+$0x3200]  }
.LBB2_9:
0x8b: {  	p1 =	sne.s32 s26, $0x63C0  }
.Ltmp6:
0x8c: {  	s28 =	sshra.s32 s26, $0x2;
	s26 =	sadd.s32 $0x40, s26;
	v3 =	vmul.u32 $0xC, v0;
	(pc) =	sbr.rel @p1 .LBB2_9-.Ltmp6, $4  }
0x8d: {  	v4 =	vshll.u32 v1, $0x1;
	v0 =	vld [tilespmem:s28+$0x0]  }
0x8e: {  	v1 =	vld [tilespmem:s28+$0x1900];
	v3 =	vadd.s32 v3, v4  }
0x8f: {  	v3 =	vadd.s32 v2, v3  }
0x90: {  	v2 =	vld [tilespmem:s28+$0x3200];
	[tilespmem:s25+$0x4B00] =	vst v3;
	s25 =	smov.u32 s28  }
.Ltmp7:
0x91: {  	_ = 	snop;
	(pc) =	sbr.rel .LBB2_10-.Ltmp7, $1  }
0x92: {  	_ =	sdelay $0x3  }
.LBB2_12:
0x93: {  	_ =	sfence.sel $0x180000  }
0x94: {  	[bflag:$0x0] =	sbarrier.arrive $0xFFFF  }
0x95: {  	p0 =	sne.s32 s0, $0x0;
	_ =	strace $0x90000047  }
0x96: {  	s0 =	sadd.s32 @!p0 $0x100000, s1;
	[bflag:$0x2] =	sbarrier.arrive $0xFFFF  }
0x97: {  	[sflag:s0] =	ssyncadd.tile.s32 @!p0 $0x1;
	_ =	shalt  }
.Lfunc_end2:
_tile_overlayer_lowered:
.L_overlay_start_2:
0x98: {  	(tag) =	ssettag $0x2  }
0x99: {  	s0 =	rddreg [dreg:$0x0];
	s2 =	stileid.u32  }
0x9a: {  	s1 =	rddreg [dreg:$0x1];
	p0 =	sne.s32 s2, $0x0  }
0x9b: {  	s3 =	rddreg [dreg:$0x2];
	[bflag:$0x3] =	sbarrier.arrive $0xFFFF;
	s2 =	simm.s32 @!p0 $0x1C01  }
0x9c: {  	[timem:s3], [sflag:s2] =	dma.local @!p0 [hbm:s0], s1  }
0x9d: {  	s0 =	simm.s32 @!p0 $0x1  }
0x9e: {  	_ =	swait.ge @!p0 [sflag:s0], s1  }
0x9f: {  	s1 =	ssub.s32 @!p0 $0x0, s1;
	[sflag:s0] =	ssyncset.done @!p0 $0x0  }
0xa0: {  	[sflag:s0] =	ssyncadd.s32 @!p0 s1  }
0xa1: {  	[bflag:$0x3] =	sbarrier.arrive $0xFFFF  }
0xa2: {  	_ =	shalt  }

</sc_bundles>
